<compile_context>
chip_gen: v7x
topology: tpu7x:2x2x1
jax: 0.10.2.dev20260603
libtpu: 0.0.44.dev20260713+nightly
codegen_flags: <defaults>
</compile_context>

<pallas_src>
import jax
import jax.numpy as jnp
from jax import lax
from jax.experimental import pallas as pl
from jax.experimental.pallas import tpu as pltpu
from jax.experimental.pallas import tpu_sc as plsc

_H = 320
_W = 320
_PIX = _H * _W
_CONTRAST = 4
_COIL = 12
_SLOPE = 5.0
_CENTER = 10
_R = 4.0
_NC = 2
_NS = 16
_HALF = _COIL // 2
_CHUNK = 12800


def _mask_body(w_ref, noise_ref, m_ref, onem_ref):
    w = w_ref[0]
    prob = jax.nn.sigmoid(w * _SLOPE)
    rows = jax.lax.broadcasted_iota(jnp.int32, (_H, _W), 0)
    cols = jax.lax.broadcasted_iota(jnp.int32, (_H, _W), 1)
    cy0, cy1 = _H // 2 - _CENTER // 2, _H // 2 + _CENTER // 2
    cx0, cx1 = _W // 2 - _CENTER // 2, _W // 2 + _CENTER // 2
    in_center = (rows >= cy0) & (rows < cy1) & (cols >= cx0) & (cols < cx1)
    p = jnp.where(in_center, 0.0, prob)
    s = jnp.sum(p)
    total = _H * _W / _R - _CENTER ** 2
    p_over = p * (total / s)
    inv_total = _H * _W * (1.0 - 1.0 / _R)
    inv_sum = _H * _W - s - _CENTER ** 2
    p_under = 1.0 - (1.0 - p) * (inv_total / inv_sum)
    p_new = jnp.where(s > total, p_over, p_under)
    p_new = jnp.where(in_center, 1.0, p_new)
    m = (p_new - noise_ref[0] >= 0.0).astype(jnp.float32)
    m_ref[0] = m
    onem_ref[0] = 1.0 - m


def _lambda_body(m_ref, im_ref, lam_ref):
    lam_ref[0] = im_ref[0] * m_ref[0][None, :, :]


def _sc_inverse_body(im_hbm, onem_hbm, inv_hbm, mask_v, buf_v):
    c = lax.axis_index("c")
    s = lax.axis_index("s")
    wid = s * _NC + c
    bc = wid // 2
    coil0 = (wid % 2) * _HALF

    def chunk_body(ci, _):
        base = ci * _CHUNK
        pltpu.sync_copy(onem_hbm.at[bc, pl.ds(base, _CHUNK)], mask_v)

        def coil_body(k, _):
            coil = coil0 + k
            pltpu.sync_copy(im_hbm.at[bc, coil, pl.ds(base, _CHUNK)], buf_v)

            def mul_body(v, _):
                sl = pl.ds(v * 16, 16)
                buf_v[sl] = buf_v[sl] * mask_v[sl]
                return 0

            lax.fori_loop(0, _CHUNK // 16, mul_body, 0, unroll=8)
            pltpu.sync_copy(buf_v, inv_hbm.at[bc, coil, pl.ds(base, _CHUNK)])
            return 0

        lax.fori_loop(0, _HALF, coil_body, 0)
        return 0

    lax.fori_loop(0, _PIX // _CHUNK, chunk_body, 0)


def kernel(undersampled_k, initial_mask, sampling_weights):
    batch = undersampled_k.shape[0]
    noise = jax.random.uniform(
        jax.random.key(42), (batch, _CONTRAST, _H, _W), dtype=jnp.float32
    )
    bc = batch * _CONTRAST
    im4 = initial_mask.reshape(bc, _COIL, _H, _W)
    noise3 = noise.reshape(bc, _H, _W)

    m16, onem16 = pl.pallas_call(
        _mask_body,
        grid=(bc,),
        in_specs=[
            pl.BlockSpec((1, _H, _W), lambda i: (i % _CONTRAST, 0, 0)),
            pl.BlockSpec((1, _H, _W), lambda i: (i, 0, 0)),
        ],
        out_specs=[
            pl.BlockSpec((1, _H, _W), lambda i: (i, 0, 0)),
            pl.BlockSpec((1, _H, _W), lambda i: (i, 0, 0)),
        ],
        out_shape=[
            jax.ShapeDtypeStruct((bc, _H, _W), jnp.float32),
            jax.ShapeDtypeStruct((bc, _H, _W), jnp.float32),
        ],
    )(sampling_weights, noise3)

    lam = pl.pallas_call(
        _lambda_body,
        grid=(bc,),
        in_specs=[
            pl.BlockSpec((1, _H, _W), lambda i: (i, 0, 0)),
            pl.BlockSpec((1, _COIL, _H, _W), lambda i: (i, 0, 0, 0)),
        ],
        out_specs=pl.BlockSpec((1, _COIL, _H, _W), lambda i: (i, 0, 0, 0)),
        out_shape=jax.ShapeDtypeStruct((bc, _COIL, _H, _W), jnp.float32),
    )(m16, im4)

    im_flat = initial_mask.reshape(bc, _COIL, _PIX)
    onem_flat = onem16.reshape(bc, _PIX)
    mesh = plsc.VectorSubcoreMesh(
        core_axis_name="c", subcore_axis_name="s",
        num_cores=_NC, num_subcores=_NS,
    )
    inv = pl.kernel(
        _sc_inverse_body,
        out_type=jax.ShapeDtypeStruct((bc, _COIL, _PIX), jnp.float32),
        mesh=mesh,
        scratch_types=[
            pltpu.VMEM((_CHUNK,), jnp.float32),
            pltpu.VMEM((_CHUNK,), jnp.float32),
        ],
    )(im_flat, onem_flat)

    shape5 = (batch, _CONTRAST, _COIL, _H, _W)
    return (lam.reshape(shape5), inv.reshape(shape5))

# --- scband reference (transcript-rebuilt; emitter-appended) ---
"""Pipeline reference for scband-learn-partitioning-87814901334558 (READ-ONLY COPY).

The authoritative reference and input builder live on the scoring server;
editing this copy changes nothing except your own understanding.
"""

import jax, jax.numpy as jnp
import numpy as np

CONTRAST, H, W = 4, 320, 320
BATCH, COIL = 4, 12
R_VALUE = 4.0
PROB_SLOPE = 5.0
CENTER = 10


def gen_pdf_bern(nx, ny, delta, p, c_sq):
    xv, yv = np.meshgrid(np.linspace(-1.0, 1.0, ny), np.linspace(-1.0, 1.0, nx))
    r = np.sqrt(xv ** 2 + yv ** 2)
    r = r / r.max()
    prob_map = np.clip((1.0 - r) ** p, 0.0, 1.0)
    cx0, cx1 = nx // 2 - c_sq // 2, nx // 2 + c_sq // 2
    cy0, cy1 = ny // 2 - c_sq // 2, ny // 2 + c_sq // 2
    a, b = -1.0, 1.0
    pm = prob_map.copy()
    for _ in range(100):
        c = (a + b) / 2.0
        pm = np.clip(prob_map + c, 0.0, 1.0)
        pm[cx0:cx1, cy0:cy1] = 1.0
        d = pm.mean()
        if d > delta + 1e-3:
            b = c
        elif d < delta - 1e-3:
            a = c
        else:
            break
    return pm.astype(np.float32)


def setup_inputs(seed: int = 0):
    key = jax.random.key(seed)
    k1, k2 = jax.random.split(key)
    undersampled_k = jax.random.normal(k1, (BATCH, CONTRAST, COIL, H, W), dtype=jnp.float32)
    initial_mask = jax.random.uniform(k2, (BATCH, CONTRAST, COIL, H, W), dtype=jnp.float32)
    init_prob = gen_pdf_bern(H, W, 1.0 / R_VALUE, 8, CENTER)
    init_prob = np.tile(init_prob[None, :, :], (CONTRAST, 1, 1))
    init_prob = init_prob / (init_prob.max() + 0.0002) + 0.0001
    sampling_weights = jnp.asarray(-np.log(1.0 / init_prob - 1.0) / PROB_SLOPE, dtype=jnp.float32)
    return {"undersampled_k": undersampled_k, "initial_mask": initial_mask, "sampling_weights": sampling_weights}


def _norm_probability(sampling_weights):
    prob = jax.nn.sigmoid(sampling_weights * PROB_SLOPE)
    cy0, cy1 = H // 2 - CENTER // 2, H // 2 + CENTER // 2
    cx0, cx1 = W // 2 - CENTER // 2, W // 2 + CENTER // 2
    center_mask = jnp.ones((H, W), dtype=prob.dtype).at[cy0:cy1, cx0:cx1].set(0.0)
    probs = []
    for i in range(CONTRAST):
        p = prob[i] * center_mask
        s = jnp.sum(p)
        total = H * W / R_VALUE - CENTER ** 2
        p_over = p * (total / s)
        inv_total = jnp.maximum(jnp.asarray(H * W * (1.0 - 1.0 / R_VALUE), dtype=p.dtype), 0.0)
        inv_sum = H * W - s - CENTER ** 2
        p_under = 1.0 - (1.0 - p) * (inv_total / inv_sum)
        p_new = jnp.where(s > total, p_over, p_under)
        p_new = p_new.at[cy0:cy1, cx0:cx1].set(1.0)
        probs.append(p_new)
    return jnp.stack(probs, axis=0)


def reference(undersampled_k, initial_mask, sampling_weights):
    batch = undersampled_k.shape[0]
    norm_probability = _norm_probability(sampling_weights)
    noise = jax.random.uniform(jax.random.key(42), (batch,) + norm_probability.shape, dtype=jnp.float32)
    activation = norm_probability - noise
    sampling_mask = (activation >= 0).astype(jnp.float32)
    lambda_mask = sampling_mask[:, :, None, :, :]
    lambda_set = initial_mask * lambda_mask
    inverse_set = initial_mask * (1.0 - lambda_mask)
    return (lambda_set, inverse_set)

if __name__ == "__main__":
    import jax
    _d = setup_inputs()
    print(jax.jit(kernel)(*tuple(_d.values())))

</pallas_src>

<mosaic_0001>
#map = affine_map<(d0, d1) -> (0, 0, 0)>
#map1 = affine_map<(d0, d1) -> (0, 0)>
module attributes {stable_mosaic.version = 14 : i64} {
  func.func @_sc_inverse_body(%arg0: i32, %arg1: i32, %arg2: memref<16x12x102400xf32, #tpu.memory_space<hbm>>, %arg3: memref<16x102400xf32, #tpu.memory_space<hbm>>, %arg4: memref<16x12x102400xf32, #tpu.memory_space<hbm>>, %arg5: memref<12800xf32, #tpu.memory_space<vmem>>, %arg6: memref<12800xf32, #tpu.memory_space<vmem>>) attributes {dimension_semantics = [#tpu.dimension_semantics<core_parallel>, #tpu.dimension_semantics<subcore_parallel>], iteration_bounds = array<i64: 2, 16>, scalar_prefetch = 0 : i64, scratch_operands = 2 : i64, tpu.core_type = #tpu.core_type<sc_vector_subcore>, window_params = [{transform_indices = #map}, {transform_indices = #map1}, {transform_indices = #map}]} {
    %mul3A = arith.constant 2 : i32
    %mul3A_0 = arith.muli %arg1, %mul3A : i32
    %add3A = arith.addi %mul3A_0, %arg0 : i32
    %jit3A = arith.constant 2 : i32
    %div3A = arith.divsi %add3A, %jit3A : i32
    %sign3A = arith.constant 0 : i32
    %sign3A_1 = arith.cmpi sgt, %add3A, %sign3A : i32
    %sign3A_2 = arith.extui %sign3A_1 : i1 to i32
    %sign3A_3 = arith.constant 0 : i32
    %sign3A_4 = arith.cmpi slt, %add3A, %sign3A_3 : i32
    %sign3A_5 = arith.extui %sign3A_4 : i1 to i32
    %sign3A_6 = arith.subi %sign3A_2, %sign3A_5 : i32
    %sign3A_7 = arith.constant 0 : i32
    %sign3A_8 = arith.cmpi sgt, %jit3A, %sign3A_7 : i32
    %sign3A_9 = arith.extui %sign3A_8 : i1 to i32
    %sign3A_10 = arith.constant 0 : i32
    %sign3A_11 = arith.cmpi slt, %jit3A, %sign3A_10 : i32
    %sign3A_12 = arith.extui %sign3A_11 : i1 to i32
    %sign3A_13 = arith.subi %sign3A_9, %sign3A_12 : i32
    %ne3A = arith.cmpi ne, %sign3A_6, %sign3A_13 : i32
    %rem3A = arith.remsi %add3A, %jit3A : i32
    %ne3A_14 = arith.constant 0 : i32
    %ne3A_15 = arith.cmpi ne, %rem3A, %ne3A_14 : i32
    %and3A = arith.andi %ne3A, %ne3A_15 : i1
    %sub3A = arith.constant 1 : i32
    %sub3A_16 = arith.subi %div3A, %sub3A : i32
    %select_n3A = arith.select %and3A, %sub3A_16, %div3A : i32
    %jit3A_17 = arith.constant 2 : i32
    %eq3A = arith.constant 0 : i32
    %eq3A_18 = arith.cmpi eq, %jit3A_17, %eq3A : i32
    %jit3A_19 = arith.constant 1 : i32
    %select_n3A_20 = arith.select %eq3A_18, %jit3A_19, %jit3A_17 : i32
    %rem3A_21 = arith.remsi %add3A, %select_n3A_20 : i32
    %ne3A_22 = arith.constant 0 : i32
    %ne3A_23 = arith.cmpi ne, %rem3A_21, %ne3A_22 : i32
    %lt3A = arith.constant 0 : i32
    %lt3A_24 = arith.cmpi slt, %rem3A_21, %lt3A : i32
    %lt3A_25 = arith.constant 0 : i32
    %lt3A_26 = arith.cmpi slt, %select_n3A_20, %lt3A_25 : i32
    %ne3A_27 = arith.xori %lt3A_24, %lt3A_26 : i1
    %and3A_28 = arith.andi %ne3A_27, %ne3A_23 : i1
    %add3A_29 = arith.addi %rem3A_21, %select_n3A_20 : i32
    %select_n3A_30 = arith.select %and3A_28, %add3A_29, %rem3A_21 : i32
    %mul3A_31 = arith.constant 6 : i32
    %mul3A_32 = arith.muli %select_n3A_30, %mul3A_31 : i32
    %scan3A = arith.constant 0 : i32
    %scan3A_33 = arith.constant 0 : i32
    %scan3A_34 = arith.constant 8 : i32
    %scan3A_35 = arith.addi %scan3A_33, %scan3A_34 : i32
    %scan3A_36 = arith.constant 1 : i32
    %scan3A_37 = scf.for %scan3A_39 = %scan3A_33 to %scan3A_35 step %scan3A_36 iter_args(%scan3A_40 = %scan3A) -> (i32)  : i32 {
      %mul3A_41 = arith.constant 12800 : i32
      %mul3A_42 = arith.muli %scan3A_39, %mul3A_41 : i32
      "tpu.region"() ({
        %run_scoped3A = tpu.sem_alloc : memref<!tpu.dma_semaphore, #tpu.memory_space<semaphore_mem>>
        %dma_start3A = tpu.memref_slice %arg3[%select_n3A, %mul3A_42] : memref<16x102400xf32, #tpu.memory_space<hbm>> -> memref<1x12800xf32, #tpu.memory_space<hbm>>
        %dma_start3A_51 = tpu.memref_squeeze %dma_start3A : memref<1x12800xf32, #tpu.memory_space<hbm>> -> memref<12800xf32, #tpu.memory_space<hbm>>
        %dma_start3A_52 = tpu.memref_slice %arg3[%select_n3A, %mul3A_42] : memref<16x102400xf32, #tpu.memory_space<hbm>> -> memref<1x12800xf32, #tpu.memory_space<hbm>>
        %dma_start3A_53 = tpu.memref_squeeze %dma_start3A_52 : memref<1x12800xf32, #tpu.memory_space<hbm>> -> memref<12800xf32, #tpu.memory_space<hbm>>
        tpu.enqueue_dma source(%dma_start3A_53 : memref<12800xf32, #tpu.memory_space<hbm>>) target(%arg5 : memref<12800xf32, #tpu.memory_space<vmem>>) target_semaphore(%run_scoped3A : memref<!tpu.dma_semaphore, #tpu.memory_space<semaphore_mem>>)
        %dma_wait3A = tpu.memref_slice %arg3[%select_n3A, %mul3A_42] : memref<16x102400xf32, #tpu.memory_space<hbm>> -> memref<1x12800xf32, #tpu.memory_space<hbm>>
        %dma_wait3A_54 = tpu.memref_squeeze %dma_wait3A : memref<1x12800xf32, #tpu.memory_space<hbm>> -> memref<12800xf32, #tpu.memory_space<hbm>>
        %dma_wait3A_55 = tpu.memref_slice %arg3[%select_n3A, %mul3A_42] : memref<16x102400xf32, #tpu.memory_space<hbm>> -> memref<1x12800xf32, #tpu.memory_space<hbm>>
        %dma_wait3A_56 = tpu.memref_squeeze %dma_wait3A_55 : memref<1x12800xf32, #tpu.memory_space<hbm>> -> memref<12800xf32, #tpu.memory_space<hbm>>
        tpu.wait_dma2 semaphore(%run_scoped3A : memref<!tpu.dma_semaphore, #tpu.memory_space<semaphore_mem>>) src(%dma_wait3A_56 : memref<12800xf32, #tpu.memory_space<hbm>>) dst(%arg5 : memref<12800xf32, #tpu.memory_space<vmem>>)
        tpu.yield
      }) : () -> ()
      %scan3A_43 = arith.constant 0 : i32
      %scan3A_44 = arith.constant 0 : i32
      %scan3A_45 = arith.constant 6 : i32
      %scan3A_46 = arith.addi %scan3A_44, %scan3A_45 : i32
      %scan3A_47 = arith.constant 1 : i32
      %scan3A_48 = scf.for %scan3A_51 = %scan3A_44 to %scan3A_46 step %scan3A_47 iter_args(%scan3A_52 = %scan3A_43) -> (i32)  : i32 {
        %add3A_53 = arith.addi %mul3A_32, %scan3A_51 : i32
        "tpu.region"() ({
          %run_scoped3A = tpu.sem_alloc : memref<!tpu.dma_semaphore, #tpu.memory_space<semaphore_mem>>
          %dma_start3A = tpu.memref_slice %arg2[%select_n3A, %add3A_53, %mul3A_42] : memref<16x12x102400xf32, #tpu.memory_space<hbm>> -> memref<1x1x12800xf32, #tpu.memory_space<hbm>>
          %dma_start3A_62 = tpu.memref_squeeze %dma_start3A : memref<1x1x12800xf32, #tpu.memory_space<hbm>> -> memref<12800xf32, #tpu.memory_space<hbm>>
          %dma_start3A_63 = tpu.memref_slice %arg2[%select_n3A, %add3A_53, %mul3A_42] : memref<16x12x102400xf32, #tpu.memory_space<hbm>> -> memref<1x1x12800xf32, #tpu.memory_space<hbm>>
          %dma_start3A_64 = tpu.memref_squeeze %dma_start3A_63 : memref<1x1x12800xf32, #tpu.memory_space<hbm>> -> memref<12800xf32, #tpu.memory_space<hbm>>
          tpu.enqueue_dma source(%dma_start3A_64 : memref<12800xf32, #tpu.memory_space<hbm>>) target(%arg6 : memref<12800xf32, #tpu.memory_space<vmem>>) target_semaphore(%run_scoped3A : memref<!tpu.dma_semaphore, #tpu.memory_space<semaphore_mem>>)
          %dma_wait3A = tpu.memref_slice %arg2[%select_n3A, %add3A_53, %mul3A_42] : memref<16x12x102400xf32, #tpu.memory_space<hbm>> -> memref<1x1x12800xf32, #tpu.memory_space<hbm>>
          %dma_wait3A_65 = tpu.memref_squeeze %dma_wait3A : memref<1x1x12800xf32, #tpu.memory_space<hbm>> -> memref<12800xf32, #tpu.memory_space<hbm>>
          %dma_wait3A_66 = tpu.memref_slice %arg2[%select_n3A, %add3A_53, %mul3A_42] : memref<16x12x102400xf32, #tpu.memory_space<hbm>> -> memref<1x1x12800xf32, #tpu.memory_space<hbm>>
          %dma_wait3A_67 = tpu.memref_squeeze %dma_wait3A_66 : memref<1x1x12800xf32, #tpu.memory_space<hbm>> -> memref<12800xf32, #tpu.memory_space<hbm>>
          tpu.wait_dma2 semaphore(%run_scoped3A : memref<!tpu.dma_semaphore, #tpu.memory_space<semaphore_mem>>) src(%dma_wait3A_67 : memref<12800xf32, #tpu.memory_space<hbm>>) dst(%arg6 : memref<12800xf32, #tpu.memory_space<vmem>>)
          tpu.yield
        }) : () -> ()
        %scan3A_54 = arith.constant 0 : i32
        %scan3A_55 = arith.constant 0 : i32
        %scan3A_56 = arith.constant 800 : i32
        %scan3A_57 = arith.addi %scan3A_55, %scan3A_56 : i32
        %scan3A_58 = arith.constant 8 : i32
        %scan3A_59 = scf.for %scan3A_62 = %scan3A_55 to %scan3A_57 step %scan3A_58 iter_args(%scan3A_63 = %scan3A_54) -> (i32)  : i32 {
          %mul3A_64 = arith.constant 16 : i32
          %mul3A_65 = arith.muli %scan3A_62, %mul3A_64 : i32
          %get3A = arith.index_cast %mul3A_65 : i32 to index
          %get3A_66 = tpu.vector_load %arg6[%get3A] {strides = array<i32>} : memref<12800xf32, #tpu.memory_space<vmem>>, vector<16xf32>,
          %get3A_67 = vector.shape_cast %get3A_66 : vector<16xf32> to vector<16xf32>
          %get3A_68 = arith.index_cast %mul3A_65 : i32 to index
          %get3A_69 = tpu.vector_load %arg5[%get3A_68] {strides = array<i32>} : memref<12800xf32, #tpu.memory_space<vmem>>, vector<16xf32>,
          %get3A_70 = vector.shape_cast %get3A_69 : vector<16xf32> to vector<16xf32>
          %mul3A_71 = arith.mulf %get3A_67, %get3A_70 : vector<16xf32>
          %swap3A = arith.index_cast %mul3A_65 : i32 to index
          %swap3A_72 = tpu.vector_load %arg6[%swap3A] {strides = array<i32>} : memref<12800xf32, #tpu.memory_space<vmem>>, vector<16xf32>,
          %swap3A_73 = vector.shape_cast %swap3A_72 : vector<16xf32> to vector<16xf32>
          %swap3A_74 = vector.shape_cast %mul3A_71 : vector<16xf32> to vector<16xf32>
          tpu.vector_store %arg6[%swap3A], %swap3A_74 {strides = array<i32>} : memref<12800xf32, #tpu.memory_space<vmem>>, vector<16xf32>,
          %scan3A_75 = arith.constant 0 : i32
          %scan3A_76 = arith.constant 1 : i32
          %scan3A_77 = arith.addi %scan3A_62, %scan3A_76 : i32
          %mul3A_78 = arith.constant 16 : i32
          %mul3A_79 = arith.muli %scan3A_77, %mul3A_78 : i32
          %get3A_80 = arith.index_cast %mul3A_79 : i32 to index
          %get3A_81 = tpu.vector_load %arg6[%get3A_80] {strides = array<i32>} : memref<12800xf32, #tpu.memory_space<vmem>>, vector<16xf32>,
          %get3A_82 = vector.shape_cast %get3A_81 : vector<16xf32> to vector<16xf32>
          %get3A_83 = arith.index_cast %mul3A_79 : i32 to index
          %get3A_84 = tpu.vector_load %arg5[%get3A_83] {strides = array<i32>} : memref<12800xf32, #tpu.memory_space<vmem>>, vector<16xf32>,
          %get3A_85 = vector.shape_cast %get3A_84 : vector<16xf32> to vector<16xf32>
          %mul3A_86 = arith.mulf %get3A_82, %get3A_85 : vector<16xf32>
          %swap3A_87 = arith.index_cast %mul3A_79 : i32 to index
          %swap3A_88 = tpu.vector_load %arg6[%swap3A_87] {strides = array<i32>} : memref<12800xf32, #tpu.memory_space<vmem>>, vector<16xf32>,
          %swap3A_89 = vector.shape_cast %swap3A_88 : vector<16xf32> to vector<16xf32>
          %swap3A_90 = vector.shape_cast %mul3A_86 : vector<16xf32> to vector<16xf32>
          tpu.vector_store %arg6[%swap3A_87], %swap3A_90 {strides = array<i32>} : memref<12800xf32, #tpu.memory_space<vmem>>, vector<16xf32>,
          %scan3A_91 = arith.constant 0 : i32
          %scan3A_92 = arith.constant 2 : i32
          %scan3A_93 = arith.addi %scan3A_62, %scan3A_92 : i32
          %mul3A_94 = arith.constant 16 : i32
          %mul3A_95 = arith.muli %scan3A_93, %mul3A_94 : i32
          %get3A_96 = arith.index_cast %mul3A_95 : i32 to index
          %get3A_97 = tpu.vector_load %arg6[%get3A_96] {strides = array<i32>} : memref<12800xf32, #tpu.memory_space<vmem>>, vector<16xf32>,
          %get3A_98 = vector.shape_cast %get3A_97 : vector<16xf32> to vector<16xf32>
          %get3A_99 = arith.index_cast %mul3A_95 : i32 to index
          %get3A_100 = tpu.vector_load %arg5[%get3A_99] {strides = array<i32>} : memref<12800xf32, #tpu.memory_space<vmem>>, vector<16xf32>,
          %get3A_101 = vector.shape_cast %get3A_100 : vector<16xf32> to vector<16xf32>
          %mul3A_102 = arith.mulf %get3A_98, %get3A_101 : vector<16xf32>
          %swap3A_103 = arith.index_cast %mul3A_95 : i32 to index
          %swap3A_104 = tpu.vector_load %arg6[%swap3A_103] {strides = array<i32>} : memref<12800xf32, #tpu.memory_space<vmem>>, vector<16xf32>,
          %swap3A_105 = vector.shape_cast %swap3A_104 : vector<16xf32> to vector<16xf32>
          %swap3A_106 = vector.shape_cast %mul3A_102 : vector<16xf32> to vector<16xf32>
          tpu.vector_store %arg6[%swap3A_103], %swap3A_106 {strides = array<i32>} : memref<12800xf32, #tpu.memory_space<vmem>>, vector<16xf32>,
          %scan3A_107 = arith.constant 0 : i32
          %scan3A_108 = arith.constant 3 : i32
          %scan3A_109 = arith.addi %scan3A_62, %scan3A_108 : i32
          %mul3A_110 = arith.constant 16 : i32
          %mul3A_111 = arith.muli %scan3A_109, %mul3A_110 : i32
          %get3A_112 = arith.index_cast %mul3A_111 : i32 to index
          %get3A_113 = tpu.vector_load %arg6[%get3A_112] {strides = array<i32>} : memref<12800xf32, #tpu.memory_space<vmem>>, vector<16xf32>,
          %get3A_114 = vector.shape_cast %get3A_113 : vector<16xf32> to vector<16xf32>
          %get3A_115 = arith.index_cast %mul3A_111 : i32 to index
          %get3A_116 = tpu.vector_load %arg5[%get3A_115] {strides = array<i32>} : memref<12800xf32, #tpu.memory_space<vmem>>, vector<16xf32>,
          %get3A_117 = vector.shape_cast %get3A_116 : vector<16xf32> to vector<16xf32>
          %mul3A_118 = arith.mulf %get3A_114, %get3A_117 : vector<16xf32>
          %swap3A_119 = arith.index_cast %mul3A_111 : i32 to index
          %swap3A_120 = tpu.vector_load %arg6[%swap3A_119] {strides = array<i32>} : memref<12800xf32, #tpu.memory_space<vmem>>, vector<16xf32>,
          %swap3A_121 = vector.shape_cast %swap3A_120 : vector<16xf32> to vector<16xf32>
          %swap3A_122 = vector.shape_cast %mul3A_118 : vector<16xf32> to vector<16xf32>
          tpu.vector_store %arg6[%swap3A_119], %swap3A_122 {strides = array<i32>} : memref<12800xf32, #tpu.memory_space<vmem>>, vector<16xf32>,
          %scan3A_123 = arith.constant 0 : i32
          %scan3A_124 = arith.constant 4 : i32
          %scan3A_125 = arith.addi %scan3A_62, %scan3A_124 : i32
          %mul3A_126 = arith.constant 16 : i32
          %mul3A_127 = arith.muli %scan3A_125, %mul3A_126 : i32
          %get3A_128 = arith.index_cast %mul3A_127 : i32 to index
          %get3A_129 = tpu.vector_load %arg6[%get3A_128] {strides = array<i32>} : memref<12800xf32, #tpu.memory_space<vmem>>, vector<16xf32>,
          %get3A_130 = vector.shape_cast %get3A_129 : vector<16xf32> to vector<16xf32>
          %get3A_131 = arith.index_cast %mul3A_127 : i32 to index
          %get3A_132 = tpu.vector_load %arg5[%get3A_131] {strides = array<i32>} : memref<12800xf32, #tpu.memory_space<vmem>>, vector<16xf32>,
          %get3A_133 = vector.shape_cast %get3A_132 : vector<16xf32> to vector<16xf32>
          %mul3A_134 = arith.mulf %get3A_130, %get3A_133 : vector<16xf32>
          %swap3A_135 = arith.index_cast %mul3A_127 : i32 to index
          %swap3A_136 = tpu.vector_load %arg6[%swap3A_135] {strides = array<i32>} : memref<12800xf32, #tpu.memory_space<vmem>>, vector<16xf32>,
          %swap3A_137 = vector.shape_cast %swap3A_136 : vector<16xf32> to vector<16xf32>
          %swap3A_138 = vector.shape_cast %mul3A_134 : vector<16xf32> to vector<16xf32>
          tpu.vector_store %arg6[%swap3A_135], %swap3A_138 {strides = array<i32>} : memref<12800xf32, #tpu.memory_space<vmem>>, vector<16xf32>,
          %scan3A_139 = arith.constant 0 : i32
          %scan3A_140 = arith.constant 5 : i32
          %scan3A_141 = arith.addi %scan3A_62, %scan3A_140 : i32
          %mul3A_142 = arith.constant 16 : i32
          %mul3A_143 = arith.muli %scan3A_141, %mul3A_142 : i32
          %get3A_144 = arith.index_cast %mul3A_143 : i32 to index
          %get3A_145 = tpu.vector_load %arg6[%get3A_144] {strides = array<i32>} : memref<12800xf32, #tpu.memory_space<vmem>>, vector<16xf32>,
          %get3A_146 = vector.shape_cast %get3A_145 : vector<16xf32> to vector<16xf32>
          %get3A_147 = arith.index_cast %mul3A_143 : i32 to index
          %get3A_148 = tpu.vector_load %arg5[%get3A_147] {strides = array<i32>} : memref<12800xf32, #tpu.memory_space<vmem>>, vector<16xf32>,
          %get3A_149 = vector.shape_cast %get3A_148 : vector<16xf32> to vector<16xf32>
          %mul3A_150 = arith.mulf %get3A_146, %get3A_149 : vector<16xf32>
          %swap3A_151 = arith.index_cast %mul3A_143 : i32 to index
          %swap3A_152 = tpu.vector_load %arg6[%swap3A_151] {strides = array<i32>} : memref<12800xf32, #tpu.memory_space<vmem>>, vector<16xf32>,
          %swap3A_153 = vector.shape_cast %swap3A_152 : vector<16xf32> to vector<16xf32>
          %swap3A_154 = vector.shape_cast %mul3A_150 : vector<16xf32> to vector<16xf32>
          tpu.vector_store %arg6[%swap3A_151], %swap3A_154 {strides = array<i32>} : memref<12800xf32, #tpu.memory_space<vmem>>, vector<16xf32>,
          %scan3A_155 = arith.constant 0 : i32
          %scan3A_156 = arith.constant 6 : i32
          %scan3A_157 = arith.addi %scan3A_62, %scan3A_156 : i32
          %mul3A_158 = arith.constant 16 : i32
          %mul3A_159 = arith.muli %scan3A_157, %mul3A_158 : i32
          %get3A_160 = arith.index_cast %mul3A_159 : i32 to index
          %get3A_161 = tpu.vector_load %arg6[%get3A_160] {strides = array<i32>} : memref<12800xf32, #tpu.memory_space<vmem>>, vector<16xf32>,
          %get3A_162 = vector.shape_cast %get3A_161 : vector<16xf32> to vector<16xf32>
          %get3A_163 = arith.index_cast %mul3A_159 : i32 to index
          %get3A_164 = tpu.vector_load %arg5[%get3A_163] {strides = array<i32>} : memref<12800xf32, #tpu.memory_space<vmem>>, vector<16xf32>,
          %get3A_165 = vector.shape_cast %get3A_164 : vector<16xf32> to vector<16xf32>
          %mul3A_166 = arith.mulf %get3A_162, %get3A_165 : vector<16xf32>
          %swap3A_167 = arith.index_cast %mul3A_159 : i32 to index
          %swap3A_168 = tpu.vector_load %arg6[%swap3A_167] {strides = array<i32>} : memref<12800xf32, #tpu.memory_space<vmem>>, vector<16xf32>,
          %swap3A_169 = vector.shape_cast %swap3A_168 : vector<16xf32> to vector<16xf32>
          %swap3A_170 = vector.shape_cast %mul3A_166 : vector<16xf32> to vector<16xf32>
          tpu.vector_store %arg6[%swap3A_167], %swap3A_170 {strides = array<i32>} : memref<12800xf32, #tpu.memory_space<vmem>>, vector<16xf32>,
          %scan3A_171 = arith.constant 0 : i32
          %scan3A_172 = arith.constant 7 : i32
          %scan3A_173 = arith.addi %scan3A_62, %scan3A_172 : i32
          %mul3A_174 = arith.constant 16 : i32
          %mul3A_175 = arith.muli %scan3A_173, %mul3A_174 : i32
          %get3A_176 = arith.index_cast %mul3A_175 : i32 to index
          %get3A_177 = tpu.vector_load %arg6[%get3A_176] {strides = array<i32>} : memref<12800xf32, #tpu.memory_space<vmem>>, vector<16xf32>,
          %get3A_178 = vector.shape_cast %get3A_177 : vector<16xf32> to vector<16xf32>
          %get3A_179 = arith.index_cast %mul3A_175 : i32 to index
          %get3A_180 = tpu.vector_load %arg5[%get3A_179] {strides = array<i32>} : memref<12800xf32, #tpu.memory_space<vmem>>, vector<16xf32>,
          %get3A_181 = vector.shape_cast %get3A_180 : vector<16xf32> to vector<16xf32>
          %mul3A_182 = arith.mulf %get3A_178, %get3A_181 : vector<16xf32>
          %swap3A_183 = arith.index_cast %mul3A_175 : i32 to index
          %swap3A_184 = tpu.vector_load %arg6[%swap3A_183] {strides = array<i32>} : memref<12800xf32, #tpu.memory_space<vmem>>, vector<16xf32>,
          %swap3A_185 = vector.shape_cast %swap3A_184 : vector<16xf32> to vector<16xf32>
          %swap3A_186 = vector.shape_cast %mul3A_182 : vector<16xf32> to vector<16xf32>
          tpu.vector_store %arg6[%swap3A_183], %swap3A_186 {strides = array<i32>} : memref<12800xf32, #tpu.memory_space<vmem>>, vector<16xf32>,
          %scan3A_187 = arith.constant 0 : i32
          scf.yield %scan3A_187 : i32
        }
        %scan3A_60 = arith.constant 800 : i32
        "tpu.region"() ({
          %run_scoped3A = tpu.sem_alloc : memref<!tpu.dma_semaphore, #tpu.memory_space<semaphore_mem>>
          %dma_start3A = tpu.memref_slice %arg4[%select_n3A, %add3A_53, %mul3A_42] : memref<16x12x102400xf32, #tpu.memory_space<hbm>> -> memref<1x1x12800xf32, #tpu.memory_space<hbm>>
          %dma_start3A_62 = tpu.memref_squeeze %dma_start3A : memref<1x1x12800xf32, #tpu.memory_space<hbm>> -> memref<12800xf32, #tpu.memory_space<hbm>>
          %dma_start3A_63 = tpu.memref_slice %arg4[%select_n3A, %add3A_53, %mul3A_42] : memref<16x12x102400xf32, #tpu.memory_space<hbm>> -> memref<1x1x12800xf32, #tpu.memory_space<hbm>>
          %dma_start3A_64 = tpu.memref_squeeze %dma_start3A_63 : memref<1x1x12800xf32, #tpu.memory_space<hbm>> -> memref<12800xf32, #tpu.memory_space<hbm>>
          tpu.enqueue_dma source(%arg6 : memref<12800xf32, #tpu.memory_space<vmem>>) target(%dma_start3A_64 : memref<12800xf32, #tpu.memory_space<hbm>>) target_semaphore(%run_scoped3A : memref<!tpu.dma_semaphore, #tpu.memory_space<semaphore_mem>>)
          %dma_wait3A = tpu.memref_slice %arg4[%select_n3A, %add3A_53, %mul3A_42] : memref<16x12x102400xf32, #tpu.memory_space<hbm>> -> memref<1x1x12800xf32, #tpu.memory_space<hbm>>
          %dma_wait3A_65 = tpu.memref_squeeze %dma_wait3A : memref<1x1x12800xf32, #tpu.memory_space<hbm>> -> memref<12800xf32, #tpu.memory_space<hbm>>
          %dma_wait3A_66 = tpu.memref_slice %arg4[%select_n3A, %add3A_53, %mul3A_42] : memref<16x12x102400xf32, #tpu.memory_space<hbm>> -> memref<1x1x12800xf32, #tpu.memory_space<hbm>>
          %dma_wait3A_67 = tpu.memref_squeeze %dma_wait3A_66 : memref<1x1x12800xf32, #tpu.memory_space<hbm>> -> memref<12800xf32, #tpu.memory_space<hbm>>
          tpu.wait_dma2 semaphore(%run_scoped3A : memref<!tpu.dma_semaphore, #tpu.memory_space<semaphore_mem>>) src(%arg6 : memref<12800xf32, #tpu.memory_space<vmem>>) dst(%dma_wait3A_67 : memref<12800xf32, #tpu.memory_space<hbm>>)
          tpu.yield
        }) : () -> ()
        %scan3A_61 = arith.constant 0 : i32
        scf.yield %scan3A_61 : i32
      }
      %scan3A_49 = arith.constant 6 : i32
      %scan3A_50 = arith.constant 0 : i32
      scf.yield %scan3A_50 : i32
    }
    %scan3A_38 = arith.constant 8 : i32
    return
  }
}

module attributes {stable_mosaic.version = 14 : i64} {
  func.func @_mask_body(%arg0: i32, %arg1: memref<1x320x320xf32, #tpu.memory_space<vmem>>, %arg2: memref<1x320x320xf32, #tpu.memory_space<vmem>>, %arg3: memref<1x320x320xf32, #tpu.memory_space<vmem>>, %arg4: memref<1x320x320xf32, #tpu.memory_space<vmem>>) attributes {dimension_semantics = [#tpu.dimension_semantics<arbitrary>], iteration_bounds = array<i64: 16>, scalar_prefetch = 0 : i64, scratch_operands = 0 : i64, tpu.core_type = #tpu.core_type<tc>, window_params = [{transform_indices = @transform_0, window_bounds = array<i64: 1, 320, 320>}, {transform_indices = @transform_1, window_bounds = array<i64: 1, 320, 320>}, {transform_indices = @transform_2, window_bounds = array<i64: 1, 320, 320>}, {transform_indices = @transform_3, window_bounds = array<i64: 1, 320, 320>}]} {
    %get3A = arith.constant 0 : index
    %get3A_0 = arith.constant 0 : index
    %get3A_1 = arith.constant 0 : index
    %get3A_2 = vector.load %arg1[%get3A, %get3A_0, %get3A_1] : memref<1x320x320xf32, #tpu.memory_space<vmem>>, vector<1x320x320xf32>
    %get3A_3 = vector.shape_cast %get3A_2 : vector<1x320x320xf32> to vector<320x320xf32>
    %mul3A = arith.constant 5.000000e+00 : f32
    %mul3A_4 = vector.broadcast %mul3A : f32 to vector<320x320xf32>
    %mul3A_5 = arith.mulf %get3A_3, %mul3A_4 : vector<320x320xf32>
    %logistic3A = arith.negf %mul3A_5 : vector<320x320xf32>
    %logistic3A_6 = math.exp %logistic3A : vector<320x320xf32>
    %logistic3A_7 = arith.constant 1.000000e+00 : f32
    %logistic3A_8 = vector.broadcast %logistic3A_7 : f32 to vector<320x320xf32>
    %logistic3A_9 = arith.addf %logistic3A_8, %logistic3A_6 : vector<320x320xf32>
    %logistic3A_10 = arith.divf %logistic3A_8, %logistic3A_9 : vector<320x320xf32>
    %iota3A = tpu.iota {dimensions = array<i32: 0>} : vector<320x320xi32>
    %iota3A_11 = tpu.iota {dimensions = array<i32: 1>} : vector<320x320xi32>
    %ge3A = arith.constant 155 : i32
    %ge3A_12 = vector.broadcast %ge3A : i32 to vector<320x320xi32>
    %ge3A_13 = arith.cmpi sge, %iota3A, %ge3A_12 : vector<320x320xi32>
    %lt3A = arith.constant 165 : i32
    %lt3A_14 = vector.broadcast %lt3A : i32 to vector<320x320xi32>
    %lt3A_15 = arith.cmpi slt, %iota3A, %lt3A_14 : vector<320x320xi32>
    %and3A = arith.andi %ge3A_13, %lt3A_15 : vector<320x320xi1>
    %ge3A_16 = arith.constant 155 : i32
    %ge3A_17 = vector.broadcast %ge3A_16 : i32 to vector<320x320xi32>
    %ge3A_18 = arith.cmpi sge, %iota3A_11, %ge3A_17 : vector<320x320xi32>
    %and3A_19 = arith.andi %and3A, %ge3A_18 : vector<320x320xi1>
    %lt3A_20 = arith.constant 165 : i32
    %lt3A_21 = vector.broadcast %lt3A_20 : i32 to vector<320x320xi32>
    %lt3A_22 = arith.cmpi slt, %iota3A_11, %lt3A_21 : vector<320x320xi32>
    %and3A_23 = arith.andi %and3A_19, %lt3A_22 : vector<320x320xi1>
    %jit3A = arith.constant 0.000000e+00 : f32
    %broadcast_in_dim3A = vector.broadcast %jit3A : f32 to vector<320x320xf32>
    %select_n3A = arith.select %and3A_23, %broadcast_in_dim3A, %logistic3A_10 : vector<320x320xi1>, vector<320x320xf32>
    %reduce_sum3A = vector.shape_cast %select_n3A : vector<320x320xf32> to vector<1x320x320xf32>
    %reduce_sum3A_24 = arith.constant dense<0.000000e+00> : vector<1xf32>
    %reduce_sum3A_25 = vector.multi_reduction <add>, %reduce_sum3A, %reduce_sum3A_24 [1, 2] : vector<1x320x320xf32> to vector<1xf32>
    %reduce_sum3A_26 = vector.shape_cast %reduce_sum3A_25 : vector<1xf32> to vector<1x1x1xf32>
    %reduce_sum3A_27 = vector.extract %reduce_sum3A_26[0, 0, 0] : f32 from vector<1x1x1xf32>
    %div3A = arith.constant 2.550000e+04 : f32
    %div3A_28 = arith.divf %div3A, %reduce_sum3A_27 : f32
    %mul3A_29 = vector.broadcast %div3A_28 : f32 to vector<320x320xf32>
    %mul3A_30 = arith.mulf %select_n3A, %mul3A_29 : vector<320x320xf32>
    %sub3A = arith.constant 1.024000e+05 : f32
    %sub3A_31 = arith.subf %sub3A, %reduce_sum3A_27 : f32
    %sub3A_32 = arith.constant 1.000000e+02 : f32
    %sub3A_33 = arith.subf %sub3A_31, %sub3A_32 : f32
    %sub3A_34 = arith.constant 1.000000e+00 : f32
    %sub3A_35 = vector.broadcast %sub3A_34 : f32 to vector<320x320xf32>
    %sub3A_36 = arith.subf %sub3A_35, %select_n3A : vector<320x320xf32>
    %div3A_37 = arith.constant 7.680000e+04 : f32
    %div3A_38 = arith.divf %div3A_37, %sub3A_33 : f32
    %mul3A_39 = vector.broadcast %div3A_38 : f32 to vector<320x320xf32>
    %mul3A_40 = arith.mulf %sub3A_36, %mul3A_39 : vector<320x320xf32>
    %sub3A_41 = arith.constant 1.000000e+00 : f32
    %sub3A_42 = vector.broadcast %sub3A_41 : f32 to vector<320x320xf32>
    %sub3A_43 = arith.subf %sub3A_42, %mul3A_40 : vector<320x320xf32>
    %gt3A = arith.constant 2.550000e+04 : f32
    %gt3A_44 = arith.cmpf ogt, %reduce_sum3A_27, %gt3A : f32
    %select_n3A_45 = arith.select %gt3A_44, %mul3A_30, %sub3A_43 : vector<320x320xf32>
    %jit3A_46 = arith.constant 1.000000e+00 : f32
    %broadcast_in_dim3A_47 = vector.broadcast %jit3A_46 : f32 to vector<320x320xf32>
    %select_n3A_48 = arith.select %and3A_23, %broadcast_in_dim3A_47, %select_n3A_45 : vector<320x320xi1>, vector<320x320xf32>
    %get3A_49 = arith.constant 0 : index
    %get3A_50 = arith.constant 0 : index
    %get3A_51 = arith.constant 0 : index
    %get3A_52 = vector.load %arg2[%get3A_49, %get3A_50, %get3A_51] : memref<1x320x320xf32, #tpu.memory_space<vmem>>, vector<1x320x320xf32>
    %get3A_53 = vector.shape_cast %get3A_52 : vector<1x320x320xf32> to vector<320x320xf32>
    %sub3A_54 = arith.subf %select_n3A_48, %get3A_53 : vector<320x320xf32>
    %ge3A_55 = arith.constant 0.000000e+00 : f32
    %ge3A_56 = vector.broadcast %ge3A_55 : f32 to vector<320x320xf32>
    %ge3A_57 = arith.cmpf oge, %sub3A_54, %ge3A_56 : vector<320x320xf32>
    %convert_element_type3A = arith.extui %ge3A_57 : vector<320x320xi1> to vector<320x320xi32>
    %convert_element_type3A_58 = arith.sitofp %convert_element_type3A : vector<320x320xi32> to vector<320x320xf32>
    %swap3A = arith.constant 0 : index
    %swap3A_59 = arith.constant 0 : index
    %swap3A_60 = arith.constant 0 : index
    %swap3A_61 = vector.load %arg3[%swap3A, %swap3A_59, %swap3A_60] : memref<1x320x320xf32, #tpu.memory_space<vmem>>, vector<1x320x320xf32>
    %swap3A_62 = vector.shape_cast %swap3A_61 : vector<1x320x320xf32> to vector<320x320xf32>
    %swap3A_63 = vector.shape_cast %convert_element_type3A_58 : vector<320x320xf32> to vector<1x320x320xf32>
    tpu.vector_store %arg3[%swap3A, %swap3A_59, %swap3A_60], %swap3A_63 {strides = array<i32>} : memref<1x320x320xf32, #tpu.memory_space<vmem>>, vector<1x320x320xf32>,
    %sub3A_64 = arith.constant 1.000000e+00 : f32
    %sub3A_65 = vector.broadcast %sub3A_64 : f32 to vector<320x320xf32>
    %sub3A_66 = arith.subf %sub3A_65, %convert_element_type3A_58 : vector<320x320xf32>
    %swap3A_67 = arith.constant 0 : index
    %swap3A_68 = arith.constant 0 : index
    %swap3A_69 = arith.constant 0 : index
    %swap3A_70 = vector.load %arg4[%swap3A_67, %swap3A_68, %swap3A_69] : memref<1x320x320xf32, #tpu.memory_space<vmem>>, vector<1x320x320xf32>
    %swap3A_71 = vector.shape_cast %swap3A_70 : vector<1x320x320xf32> to vector<320x320xf32>
    %swap3A_72 = vector.shape_cast %sub3A_66 : vector<320x320xf32> to vector<1x320x320xf32>
    tpu.vector_store %arg4[%swap3A_67, %swap3A_68, %swap3A_69], %swap3A_72 {strides = array<i32>} : memref<1x320x320xf32, #tpu.memory_space<vmem>>, vector<1x320x320xf32>,
    return
  }
  func.func @transform_0(%arg0: i32) -> (i32, i32, i32) {
    %jit3A = arith.constant 4 : i32
    %eq3A = arith.constant 0 : i32
    %eq3A_0 = arith.cmpi eq, %jit3A, %eq3A : i32
    %jit3A_1 = arith.constant 1 : i32
    %select_n3A = arith.select %eq3A_0, %jit3A_1, %jit3A : i32
    %rem3A = arith.remsi %arg0, %select_n3A : i32
    %ne3A = arith.constant 0 : i32
    %ne3A_2 = arith.cmpi ne, %rem3A, %ne3A : i32
    %lt3A = arith.constant 0 : i32
    %lt3A_3 = arith.cmpi slt, %rem3A, %lt3A : i32
    %lt3A_4 = arith.constant 0 : i32
    %lt3A_5 = arith.cmpi slt, %select_n3A, %lt3A_4 : i32
    %ne3A_6 = arith.xori %lt3A_3, %lt3A_5 : i1
    %and3A = arith.andi %ne3A_6, %ne3A_2 : i1
    %add3A = arith.addi %rem3A, %select_n3A : i32
    %select_n3A_7 = arith.select %and3A, %add3A, %rem3A : i32
    %c0_i32 = arith.constant 0 : i32
    %c0_i32_8 = arith.constant 0 : i32
    %c0_i32_9 = arith.constant 0 : i32
    return %select_n3A_7, %c0_i32, %c0_i32_8 : i32, i32, i32
  }
  func.func @transform_1(%arg0: i32) -> (i32, i32, i32) {
    %c0_i32 = arith.constant 0 : i32
    %c0_i32_0 = arith.constant 0 : i32
    %c0_i32_1 = arith.constant 0 : i32
    return %arg0, %c0_i32, %c0_i32_0 : i32, i32, i32
  }
  func.func @transform_2(%arg0: i32) -> (i32, i32, i32) {
    %c0_i32 = arith.constant 0 : i32
    %c0_i32_0 = arith.constant 0 : i32
    %c0_i32_1 = arith.constant 0 : i32
    return %arg0, %c0_i32, %c0_i32_0 : i32, i32, i32
  }
  func.func @transform_3(%arg0: i32) -> (i32, i32, i32) {
    %c0_i32 = arith.constant 0 : i32
    %c0_i32_0 = arith.constant 0 : i32
    %c0_i32_1 = arith.constant 0 : i32
    return %arg0, %c0_i32, %c0_i32_0 : i32, i32, i32
  }
}

module attributes {stable_mosaic.version = 14 : i64} {
  func.func @_lambda_body(%arg0: i32, %arg1: memref<1x320x320xf32, #tpu.memory_space<vmem>>, %arg2: memref<1x12x320x320xf32, #tpu.memory_space<vmem>>, %arg3: memref<1x12x320x320xf32, #tpu.memory_space<vmem>>) attributes {dimension_semantics = [#tpu.dimension_semantics<arbitrary>], iteration_bounds = array<i64: 16>, scalar_prefetch = 0 : i64, scratch_operands = 0 : i64, tpu.core_type = #tpu.core_type<tc>, window_params = [{transform_indices = @transform_0, window_bounds = array<i64: 1, 320, 320>}, {transform_indices = @transform_1, window_bounds = array<i64: 1, 12, 320, 320>}, {transform_indices = @transform_2, window_bounds = array<i64: 1, 12, 320, 320>}]} {
    %get3A = arith.constant 0 : index
    %get3A_0 = arith.constant 0 : index
    %get3A_1 = arith.constant 0 : index
    %get3A_2 = arith.constant 0 : index
    %get3A_3 = vector.load %arg2[%get3A, %get3A_0, %get3A_1, %get3A_2] : memref<1x12x320x320xf32, #tpu.memory_space<vmem>>, vector<1x12x320x320xf32>
    %get3A_4 = vector.shape_cast %get3A_3 : vector<1x12x320x320xf32> to vector<12x320x320xf32>
    %get3A_5 = arith.constant 0 : index
    %get3A_6 = arith.constant 0 : index
    %get3A_7 = arith.constant 0 : index
    %get3A_8 = vector.load %arg1[%get3A_5, %get3A_6, %get3A_7] : memref<1x320x320xf32, #tpu.memory_space<vmem>>, vector<1x320x320xf32>
    %get3A_9 = vector.shape_cast %get3A_8 : vector<1x320x320xf32> to vector<320x320xf32>
    %broadcast_in_dim3A = vector.shape_cast %get3A_9 : vector<320x320xf32> to vector<1x320x320xf32>
    %mul3A = vector.broadcast %broadcast_in_dim3A : vector<1x320x320xf32> to vector<12x320x320xf32>
    %mul3A_10 = arith.mulf %get3A_4, %mul3A : vector<12x320x320xf32>
    %swap3A = arith.constant 0 : index
    %swap3A_11 = arith.constant 0 : index
    %swap3A_12 = arith.constant 0 : index
    %swap3A_13 = arith.constant 0 : index
    %swap3A_14 = vector.load %arg3[%swap3A, %swap3A_11, %swap3A_12, %swap3A_13] : memref<1x12x320x320xf32, #tpu.memory_space<vmem>>, vector<1x12x320x320xf32>
    %swap3A_15 = vector.shape_cast %swap3A_14 : vector<1x12x320x320xf32> to vector<12x320x320xf32>
    %swap3A_16 = vector.shape_cast %mul3A_10 : vector<12x320x320xf32> to vector<1x12x320x320xf32>
    tpu.vector_store %arg3[%swap3A, %swap3A_11, %swap3A_12, %swap3A_13], %swap3A_16 {strides = array<i32>} : memref<1x12x320x320xf32, #tpu.memory_space<vmem>>, vector<1x12x320x320xf32>,
    return
  }
  func.func @transform_0(%arg0: i32) -> (i32, i32, i32) {
    %c0_i32 = arith.constant 0 : i32
    %c0_i32_0 = arith.constant 0 : i32
    %c0_i32_1 = arith.constant 0 : i32
    return %arg0, %c0_i32, %c0_i32_0 : i32, i32, i32
  }
  func.func @transform_1(%arg0: i32) -> (i32, i32, i32, i32) {
    %c0_i32 = arith.constant 0 : i32
    %c0_i32_0 = arith.constant 0 : i32
    %c0_i32_1 = arith.constant 0 : i32
    %c0_i32_2 = arith.constant 0 : i32
    return %arg0, %c0_i32, %c0_i32_0, %c0_i32_1 : i32, i32, i32, i32
  }
  func.func @transform_2(%arg0: i32) -> (i32, i32, i32, i32) {
    %c0_i32 = arith.constant 0 : i32
    %c0_i32_0 = arith.constant 0 : i32
    %c0_i32_1 = arith.constant 0 : i32
    %c0_i32_2 = arith.constant 0 : i32
    return %arg0, %c0_i32, %c0_i32_0, %c0_i32_1 : i32, i32, i32, i32
  }
}

</mosaic_0001>

<sc_bundles>
// kernel: kernel.5.cloned.1.call-start
scs
__scs_entry_jumppad:
0x0: {  	(pc) =	sbr.rel $0x88, $3  }
0x1: {  	(tag) =	ssettag $0x0;
	lr =	simm.s32 $0x1  }
0x2: {  	[smem:$0x3F9F] =	sst lr;
	_ =	strace $0xD0000000  }
0x3: {  	_ = 	snop  }
0x4: {  	_ = 	snop  }
0x5: {  	_ = 	snop  }
0x6: {  	_ = 	snop  }
0x7: {  	_ = 	snop  }
__scs_overlays_trampoline_lowered:
0x8: {  	[smem:$0x3FAE] =	sst s0  }
0x9: {  	[smem:$0x3FAF] =	sst s1  }
0xa: {  	[smem:$0x3FB0] =	sst s2  }
0xb: {  	[smem:$0x3FB1] =	sst s3  }
0xc: {  	[smem:$0x3FB2] =	sst s4  }
0xd: {  	[smem:$0x3FB3] =	sst s5  }
0xe: {  	[smem:$0x3FB4] =	sst s6  }
0xf: {  	[smem:$0x3FB5] =	sst s7  }
0x10: {  	[smem:$0x3FB6] =	sst s8  }
0x11: {  	[smem:$0x3FB7] =	sst s9;
	s0 =	simm.s32 @!p0 $0x0  }
0x12: {  	s1 =	sld [smem:$0x3F9D];
	s0 =	simm.s32 @p0 $0x1  }
0x13: {  	[smem:$0x3FB8] =	sst s0;
	s0 =	simm.s32 @!p1 $0x0  }
0x14: {  	s2 =	sld [smem:$0x3F9C];
	s0 =	simm.s32 @p1 $0x1  }
0x15: {  	[smem:$0x3FB9] =	sst s0;
	s0 =	simm.s32 @!p2 $0x0  }
0x16: {  	s3 =	sld [smem:$0x3FDB];
	s0 =	simm.s32 @p2 $0x1  }
0x17: {  	s4 =	simm.s32 $0x1BF5;
	[smem:$0x3FBB] =	sst s0  }
0x18: {  	s0 =	sld [smem:$0x3F9E];
	_ =	swait.ge [sflag:s4], $0x0  }
0x19: {  	s7 =	sld [smem:$0x3F9F]  }
0x1a: {  	s8 =	sadd.s32 $0xFFFFE003, lr  }
0x1b: {  	s9 =	sadd.s32 $0xFFFFFEF7, lr;
	s5 =	simm.s32 $0xFFFFFFFF;
	p2 =	slt.u32 s8, $0xFFFFF086  }
0x1c: {  	p1 =	slt.u32 s9, $0xF7A;
	s5 =	simm.s32 @!p2 $0x0  }
0x1d: {  	s5 =	simm.s32 @p1 $0x1;
	p0 =	seq.s32 s7, s2  }
0x1e: {  	s7 =	smul.u32 @!p0 $0xF7A, s2;
	p2 =	seq.s32 @!p0 s5, $0x0  }
0x1f: {  	s9 =	smul.u32 $0xF7A, s1;
	s8 =	simm.s32 @!p0 $0x1BF5;
	p2 =	por !p2, p0  }
0x20: {  	[sflag:s8] =	ssyncset.s32 @!p0 $0xFFFFF086;
	s6 =	sadd.s32 @!p0 s3, s7;
	s7 =	simm.s32 @!p0 $0x108  }
0x21: {  	s3 =	sadd.s32 s3, s9;
	s6 =	sadd.s32 @!p0 $0x88, s6;
	s7 =	simm.s32 @p2 $0x1082  }
0x22: {  	[simem:s7], [sflag:s8] =	dma.local @!p0 [hbm:s6], $0xF7A  }
0x23: {  	s9 =	sor.u32 $0xD0000000, s2;
	s6 =	simm.s32 $0x108;
	_ =	swait.ge @!p0 [sflag:s8], $0x0  }
0x24: {  	s3 =	sadd.s32 $0x88, s3;
	s6 =	simm.s32 @!p1 $0x1082;
	[sflag:s4] =	ssyncset.s32 $0xFFFFF086  }
0x25: {  	[simem:s6], [sflag:s4] =	dma.local [hbm:s3], $0xF7A  }
0x26: {  	[smem:$0x3F9F] =	sst s1;
	(tag) =	ssettag s2;
	_ =	strace s9  }
0x27: {  	s1 =	sld [smem:$0x3FAF]  }
0x28: {  	s2 =	sld [smem:$0x3FB0]  }
0x29: {  	s4 =	sld [smem:$0x3FB2]  }
0x2a: {  	p0 =	seq.s32 s5, $0x0;
	s5 =	sld [smem:$0x3FB3]  }
0x2b: {  	s6 =	sld [smem:$0x3FB4]  }
0x2c: {  	s7 =	sld [smem:$0x3FB5]  }
0x2d: {  	s3 =	simm.s32 $0x108;
	s8 =	sld [smem:$0x3FB6]  }
0x2e: {  	s3 =	simm.s32 @!p0 $0x1082;
	s9 =	sld [smem:$0x3FB7]  }
0x2f: {  	lr =	sadd.s32 s0, s3;
	s0 =	sld [smem:$0x3FAE]  }
0x30: {  	s3 =	sld [smem:$0x3FB1]  }
0x31: {  	[smem:$0x3FBA] =	sst s10  }
0x32: {  	s10 =	sld [smem:$0x3FB8];
	_ =	sdelay $0x3  }
0x33: {  	p0 =	seq.s32 s10, $0x1;
	s10 =	sld [smem:$0x3FBA];
	_ =	sdelay $0x3  }
0x34: {  	[smem:$0x3FBA] =	sst s10  }
0x35: {  	s10 =	sld [smem:$0x3FB9];
	_ =	sdelay $0x3  }
0x36: {  	p1 =	seq.s32 s10, $0x1;
	s10 =	sld [smem:$0x3FBA];
	_ =	sdelay $0x3  }
0x37: {  	[smem:$0x3FBA] =	sst s10  }
0x38: {  	s10 =	sld [smem:$0x3FBB]  }
0x39: {  	_ = 	snop;
	(pc) =	sbr.ind lr, $3  }
0x3a: {  	_ = 	snop  }
0x3b: {  	_ = 	snop  }
0x3c: {  	p2 =	seq.s32 s10, $0x1;
	s10 =	sld [smem:$0x3FBA]  }
0x3d: {  	_ =	shalt  }
0x3e: {  	_ =	shalt  }
0x3f: {  	_ =	shalt  }
0x40: {  	_ =	shalt  }
0x41: {  	_ =	shalt  }
0x42: {  	_ =	shalt  }
0x43: {  	_ =	shalt  }
0x44: {  	_ =	shalt  }
0x45: {  	_ =	shalt  }
0x46: {  	_ =	shalt  }
0x47: {  	_ =	shalt  }
0x48: {  	_ =	shalt  }
0x49: {  	_ =	shalt  }
0x4a: {  	_ =	shalt  }
0x4b: {  	_ =	shalt  }
0x4c: {  	_ =	shalt  }
0x4d: {  	_ =	shalt  }
0x4e: {  	_ =	shalt  }
0x4f: {  	_ =	shalt  }
0x50: {  	_ =	shalt  }
0x51: {  	_ =	shalt  }
0x52: {  	_ =	shalt  }
0x53: {  	_ =	shalt  }
0x54: {  	_ =	shalt  }
0x55: {  	_ =	shalt  }
0x56: {  	_ =	shalt  }
0x57: {  	_ =	shalt  }
0x58: {  	_ =	shalt  }
0x59: {  	_ =	shalt  }
0x5a: {  	_ =	shalt  }
0x5b: {  	_ =	shalt  }
0x5c: {  	_ =	shalt  }
0x5d: {  	_ =	shalt  }
0x5e: {  	_ =	shalt  }
0x5f: {  	_ =	shalt  }
0x60: {  	_ =	shalt  }
0x61: {  	_ =	shalt  }
0x62: {  	_ =	shalt  }
0x63: {  	_ =	shalt  }
0x64: {  	_ =	shalt  }
0x65: {  	_ =	shalt  }
0x66: {  	_ =	shalt  }
0x67: {  	_ =	shalt  }
0x68: {  	_ =	shalt  }
0x69: {  	_ =	shalt  }
0x6a: {  	_ =	shalt  }
0x6b: {  	_ =	shalt  }
0x6c: {  	_ =	shalt  }
0x6d: {  	_ =	shalt  }
0x6e: {  	_ =	shalt  }
0x6f: {  	_ =	shalt  }
0x70: {  	_ =	shalt  }
0x71: {  	_ =	shalt  }
0x72: {  	_ =	shalt  }
0x73: {  	_ =	shalt  }
0x74: {  	_ =	shalt  }
0x75: {  	_ =	shalt  }
0x76: {  	_ =	shalt  }
0x77: {  	_ =	shalt  }
0x78: {  	_ =	shalt  }
0x79: {  	_ =	shalt  }
0x7a: {  	_ =	shalt  }
0x7b: {  	_ =	shalt  }
0x7c: {  	_ =	shalt  }
0x7d: {  	_ =	shalt  }
0x7e: {  	_ =	shalt  }
0x7f: {  	_ =	shalt  }
0x80: {  	_ =	shalt  }
0x81: {  	_ =	shalt  }
0x82: {  	_ =	shalt  }
0x83: {  	_ =	shalt  }
0x84: {  	_ =	shalt  }
0x85: {  	_ =	shalt  }
0x86: {  	_ =	shalt  }
0x87: {  	_ =	shalt  }
.Lfunc_end0:
.L_simem_size_0:
called_computation_lowered:
.L_overlay_start_0:
0x88: {  	s2 =	sld [smem:$0x3FD9]  }
0x89: {  	s3 =	sld [smem:$0x3FFE];
	_ =	sdelay $0x1  }
0x8a: {  	s1 =	srdreg.scid  }
0x8b: {  	s0 =	sand.u32 $0x1, s1  }
0x8c: {  	s16 =	sshll.u32 s0, $0xA;
	s2 =	sadd.s32 s3, s2  }
0x8d: {  	s2 =	sadd.s32 s2, s16  }
0x8e: {  	[smem:$0x3FC6] =	sst s2  }
0x8f: {  	_ = 	snop  }
0x90: {  	(tm) =	ssettm $0x1  }
0x91: {  	s17 =	sld [smem:$0x3FFB];
	_ =	sdelay $0x3  }
0x92: {  	_ =	strace s17  }
0x93: {  	s2 =	sld [smem:$0x3FFC];
	_ =	sdelay $0x3  }
0x94: {  	_ =	strace s2  }
0x95: {  	s2 =	sld [smem:$0x3FFD];
	_ =	sdelay $0x3  }
0x96: {  	_ =	strace s2  }
0x97: {  	_ =	strace $0x8FFFFFFF  }
0x98: {  	s18 =	sld [smem:$0x3FDB];
	_ =	sdelay $0x1  }
0x99: {  	s19 =	simm.s32 $_scs_section_size  }
0x9a: {  	s4 =	simm.s32 $_size__tile_overlayer_lowered;
	s5 =	simm.s32 $_tile_overlayer_lowered  }
0x9b: {  	s22 =	simm.s32 $0x1BFF;
	s21 =	sshll.u32 s5, $0x1;
	s2 =	sadd.s32 s19, s18  }
0x9c: {  	s6 =	simm.s32 $0x0;
	s20 =	sshll.u32 s4, $0x1;
	s4 =	sadd.s32 s21, s2  }
0x9d: {  	[timem:s6], [sflag:s22] =	dma.local [hbm:s4], s20  }
0x9e: {  	_ =	swait.ge [sflag:s22], s20  }
0x9f: {  	s3 =	ssub.s32 $0x0, s20;
	[sflag:s22] =	ssyncset.done $0x0  }
0xa0: {  	[sflag:s22] =	ssyncadd.s32 s3;
	_ =	sdelay $0x1  }
0xa1: {  	s23 =	simm.s32 $0x1B8B  }
0xa2: {  	_ =	swait.ge [sflag:s23], $0x1  }
0xa3: {  	[sflag:s23] =	ssyncset.done $0x0  }
0xa4: {  	s25 =	simm.s32 $0x1B8E;
	s24 =	sld [smem:$0x3FFE];
	[sflag:s23] =	ssyncadd.s32 $0xFFFFFFFF  }
0xa5: {  	s26 =	simm.s32 $execute0_lowered;
	[smem:$0x3FD2] =	sst s25  }
0xa6: {  	s4 =	sshll.u32 s26, $0x1;
	_ =	strace $0x80000046;
	[dreg:$0x1] =	wrdreg $0xFFFFFFFF  }
0xa7: {  	s28 =	simm.s32 $_size_execute0_lowered;
	s2 =	sadd.s32 s2, s4;
	[dreg:$0x0] =	wrdreg $0x0  }
0xa8: {  	s4 =	sshll.u32 s28, $0x1;
	[dreg:$0x2] =	wrdreg s2  }
0xa9: {  	[dreg:$0x3] =	wrdreg s4  }
0xaa: {  	[dreg:$0x4] =	wrdreg $0xC0  }
0xab: {  	_ =	task [dreg:s6], $0x5FFFF  }
0xac: {  	[dreg:$0x1] =	wrdreg $0xFFFFFFFF  }
0xad: {  	[dreg:$0x0] =	wrdreg $0x60  }
0xae: {  	[dreg:$0x2] =	wrdreg s24  }
0xaf: {  	[dreg:$0x3] =	wrdreg $0x9  }
0xb0: {  	_ =	task.clear_ibuf [dreg:s6], $0x4FFFF;
	_ =	strace $0x90000046  }
0xb1: {  	s29 =	simm.s32 $0x9;
	_ =	strace $0x80000048  }
0xb2: {  	_ =	swait.ge [sflag:s29], $0x1  }
0xb3: {  	[sflag:s29] =	ssyncadd.s32 $0xFFFFFFFF  }
0xb4: {  	_ =	strace $0x90000048  }
0xb5: {  	_ =	sfence  }
0xb6: {  	s30 =	sld [smem:$0x0];
	_ =	sdelay $0x2  }
0xb7: {  	s31 =	sshll.u32 s1, $0xD;
	s1 =	sshrl.u32 s1, $0x2  }
0xb8: {  	s3 =	sand.u32 $0x4000, s31;
	s1 =	sadd.s32 s1, s30  }
0xb9: {  	s0 =	sor.u32 s3, s0;
	s1 =	sshll.u32 s1, $0x11  }
0xba: {  	s0 =	sor.u32 s1, s0  }
0xbb: {  	s0 =	sadd.s32 $0x8F2B, s0  }
0xbc: {  	[sflag:s0] =	ssyncadd.remote.s32 $0x1  }
0xbd: {  	_ =	sfence.sel $0xFFFF  }
0xbe: {  	[dreg:$0x0] =	wrdreg $0xFFFFFFFF;
	(pc) =	sbr.abs _section_cstart, $3  }
0xbf: {  	[dreg:$0x1] =	wrdreg $0xFFFFFFFF  }
0xc0: {  	_ =	task.clear_ibuf [dreg:s6], $0x2FFFF;
	_ =	strace $0x9FFFFFFF  }
0xc1: {  	(tm) =	ssettm $0x7FFFFFFF  }
tec
execute0_lowered:
.L_overlay_start_1:
0x0: {  	(tag) =	ssettag $0x1  }
0x1: {  	s0 =	srdreg.scid;
	s5 =	rddreg [dreg:$0x0]  }
0x2: {  	s1 =	stileid.u32;
	s2 =	simm.s32 $0x0;
	s4 =	sand.u32 $0x1, s0  }
0x3: {  	s6 =	simm.s32 $0x1;
	s12 =	simm.s32 $0x400;
	s3 =	sor.u32 s4, s1  }
0x4: {  	s0 =	rddreg [dreg:$0x1];
	p0 =	seq.s32 s4, $0x1;
	p1 =	seq.s32 s3, $0x0  }
0x5: {  	s13 =	simm.s32 $0x3200;
	[smem:$0x7FF] =	sst s2;
	p1 =	por !p1, !p0  }
0x6: {  	_ =	strace $0x80000047;
	s7 =	ssub.s32 $0x2, s4;
	p1 =	por !p1, !p1  }
0x7: {  	s4 =	sadd.s32 $0x1200, s5;
	s3 =	sadd.s32 $0x33200, s5;
	s6 =	simm.s32 @!p1 $0x0  }
0x8: {  	s8 =	sshrl.u32 s7, $0x1;
	s5 =	sadd.s32 $0x353200, s5;
	s9 =	ssub.s32 s1, s6  }
0x9: {  	s10 =	ssub.s32 s7, s8;
	s7 =	simm.s32 $0x1;
	s30 =	sshrl.u32 s9, $0x3  }
0xa: {  	s6 =	simm.s32 $0x6;
	s11 =	sshll.u32 s9, $0x7;
	s31 =	smul.u32 $0xC8000, s30  }
0xb: {  	s10 =	smax.u32 s10, $0x1;
	s6 =	simm.s32 @!p0 $0x0;
	s11 =	sand.u32 $0x380, s11  }
0xc: {  	s9 =	smul.u32 $0x190000, s9;
	s8 =	sor.u32 s11, s31;
	s11 =	simm.s32 $0x80  }
.LBB2_1:
0xd: {  	s14 =	simm.s32 $0x0  }
.LBB2_2:
0xe: {  	s16 =	smul.u32 $0x19000, s14;
	_ =	sdelay $0x1  }
0xf: {  	s15 =	sadd.s32 s8, s16  }
0x10: {  	s15 =	sshrl.u32 s15, $0x3  }
0x11: {  	s17 =	sadd.s32 s4, s15;
	s15 =	simm.s32 $0x0  }
0x12: {  	[tilespmem:s15], [sflag:$0x1] =	stream.strided.gather [hbm4b:s17+s11], $0x3200, s12, s11, $0x38;
	[tilespmem:$0x6400] =	vst v63  }
0x13: {  	_ =	swait.ge [sflag:s7], $0x3200  }
0x14: {  	[sflag:s7] =	ssyncset.done $0x0  }
0x15: {  	s16 =	sadd.s32 s9, s16;
	[sflag:s7] =	ssyncadd.s32 $0xFFFFCE00  }
.LBB2_3:
0x16: {  	s17 =	sadd.s32 s6, s15  }
0x17: {  	s18 =	sshrl.u32 s17, $0x3  }
0x18: {  	s18 =	smul.u32 $0xC8000, s18  }
0x19: {  	s17 =	sshll.u32 s17, $0x7  }
0x1a: {  	s17 =	sand.u32 $0x380, s17;
	s18 =	sadd.s32 s18, s16  }
0x1b: {  	s17 =	sor.u32 s17, s18  }
0x1c: {  	s17 =	sshrl.u32 s17, $0x3  }
0x1d: {  	s31 =	sadd.s32 s3, s17  }
0x1e: {  	[tilespmem:s13], [sflag:$0x1] =	stream.strided.gather [hbm4b:s31+s11], $0x3200, s12, s11, $0x38;
	[tilespmem:$0x6400] =	vst v63  }
0x1f: {  	_ =	swait.ge [sflag:s7], $0x3200  }
0x20: {  	[sflag:s7] =	ssyncset.done $0x0  }
0x21: {  	s18 =	simm.s32 $0x3240;
	[sflag:s7] =	ssyncadd.s32 $0xFFFFCE00  }
0x22: {  	s19 =	simm.s32 $0x40;
	v0 =	vld [tilespmem:s18+$0xFFFFFFC0]  }
0x23: {  	v1 =	vld [tilespmem:s19+$0xFFFFFFC0];
	_ =	sdelay $0x4  }
0x24: {  	v0 =	vmul.f32 v1, v0;
	_ =	sdelay $0x1  }
0x25: {  	[tilespmem:s18+$0xFFFFFFC0] =	vst v0;
	v0 =	vld [tilespmem:s18+$0xFFFFFFD0]  }
0x26: {  	v1 =	vld [tilespmem:s19+$0xFFFFFFD0];
	_ =	sdelay $0x4  }
0x27: {  	v0 =	vmul.f32 v1, v0;
	_ =	sdelay $0x1  }
0x28: {  	[tilespmem:s18+$0xFFFFFFD0] =	vst v0;
	v0 =	vld [tilespmem:s18+$0xFFFFFFE0]  }
0x29: {  	v1 =	vld [tilespmem:s19+$0xFFFFFFE0];
	_ =	sdelay $0x4  }
0x2a: {  	v0 =	vmul.f32 v1, v0;
	_ =	sdelay $0x1  }
0x2b: {  	[tilespmem:s18+$0xFFFFFFE0] =	vst v0;
	v0 =	vld [tilespmem:s18+$0xFFFFFFF0]  }
0x2c: {  	v1 =	vld [tilespmem:s19+$0xFFFFFFF0];
	_ =	sdelay $0x4  }
0x2d: {  	v0 =	vmul.f32 v1, v0;
	_ =	sdelay $0x1  }
0x2e: {  	[tilespmem:s18+$0xFFFFFFF0] =	vst v0;
	v0 =	vld [tilespmem:s18+$0x0]  }
0x2f: {  	v1 =	vld [tilespmem:s19+$0x0];
	_ =	sdelay $0x4  }
0x30: {  	v0 =	vmul.f32 v1, v0;
	_ =	sdelay $0x1  }
0x31: {  	[tilespmem:s18+$0x0] =	vst v0;
	v0 =	vld [tilespmem:s18+$0x10]  }
0x32: {  	v1 =	vld [tilespmem:s19+$0x10];
	_ =	sdelay $0x4  }
0x33: {  	v0 =	vmul.f32 v1, v0;
	_ =	sdelay $0x1  }
0x34: {  	[tilespmem:s18+$0x10] =	vst v0;
	v0 =	vld [tilespmem:s18+$0x20]  }
0x35: {  	v1 =	vld [tilespmem:s19+$0x20];
	_ =	sdelay $0x4  }
0x36: {  	v0 =	vmul.f32 v1, v0;
	_ =	sdelay $0x1  }
0x37: {  	[tilespmem:s18+$0x20] =	vst v0;
	v0 =	vld [tilespmem:s18+$0x30]  }
0x38: {  	v1 =	vld [tilespmem:s19+$0x30];
	_ =	sdelay $0x4  }
0x39: {  	v0 =	vmul.f32 v1, v0  }
0x3a: {  	s20 =	simm.s32 $0x0;
	s21 =	simm.s32 $0x32C0  }
.LBB2_4:
0x3b: {  	v1 =	vld [tilespmem:s21+$0xFFFFFFC0];
	[tilespmem:s18+$0x30] =	vst v0;
	s19 =	sadd.s32 $0x80, s19;
	s18 =	smov.u32 s21  }
0x3c: {  	s20 =	sadd.s32 $0x8, s20;
	v0 =	vld [tilespmem:s19+$0xFFFFFFC0]  }
0x3d: {  	p0 =	slt.u32 s20, $0x318;
	_ =	sdelay $0x3  }
0x3e: {  	v0 =	vmul.f32 v0, v1;
	_ =	sdelay $0x1  }
0x3f: {  	[tilespmem:s21+$0xFFFFFFC0] =	vst v0;
	v0 =	vld [tilespmem:s21+$0xFFFFFFD0]  }
0x40: {  	v1 =	vld [tilespmem:s19+$0xFFFFFFD0];
	_ =	sdelay $0x4  }
0x41: {  	v0 =	vmul.f32 v1, v0;
	_ =	sdelay $0x1  }
0x42: {  	[tilespmem:s21+$0xFFFFFFD0] =	vst v0;
	v0 =	vld [tilespmem:s21+$0xFFFFFFE0]  }
0x43: {  	v1 =	vld [tilespmem:s19+$0xFFFFFFE0];
	_ =	sdelay $0x4  }
0x44: {  	v0 =	vmul.f32 v1, v0;
	_ =	sdelay $0x1  }
0x45: {  	[tilespmem:s21+$0xFFFFFFE0] =	vst v0;
	v0 =	vld [tilespmem:s21+$0xFFFFFFF0]  }
0x46: {  	v1 =	vld [tilespmem:s19+$0xFFFFFFF0];
	_ =	sdelay $0x4  }
0x47: {  	v0 =	vmul.f32 v1, v0;
	_ =	sdelay $0x1  }
0x48: {  	[tilespmem:s21+$0xFFFFFFF0] =	vst v0;
	v0 =	vld [tilespmem:s21+$0x0]  }
0x49: {  	v1 =	vld [tilespmem:s19+$0x0];
	_ =	sdelay $0x4  }
0x4a: {  	v0 =	vmul.f32 v1, v0;
	_ =	sdelay $0x1  }
0x4b: {  	[tilespmem:s21+$0x0] =	vst v0;
	v0 =	vld [tilespmem:s21+$0x10]  }
0x4c: {  	v1 =	vld [tilespmem:s19+$0x10];
	_ =	sdelay $0x4  }
0x4d: {  	v0 =	vmul.f32 v1, v0;
	_ =	sdelay $0x1  }
0x4e: {  	[tilespmem:s21+$0x10] =	vst v0;
	v0 =	vld [tilespmem:s21+$0x20]  }
0x4f: {  	v1 =	vld [tilespmem:s19+$0x20];
	_ =	sdelay $0x4  }
0x50: {  	v0 =	vmul.f32 v1, v0;
	_ =	sdelay $0x1  }
0x51: {  	[tilespmem:s21+$0x20] =	vst v0;
	v0 =	vld [tilespmem:s21+$0x30]  }
0x52: {  	v1 =	vld [tilespmem:s19+$0x30];
	_ =	sdelay $0x1  }
.Ltmp0:
0x53: {  	(pc) =	sbr.rel @p0 .LBB2_4-.Ltmp0, $3  }
0x54: {  	_ =	sdelay $0x1  }
0x55: {  	v0 =	vmul.f32 v1, v0  }
0x56: {  	s21 =	sadd.s32 $0x80, s21  }
0x57: {  	s15 =	sadd.s32 $0x1, s15  }
0x58: {  	p0 =	sne.s32 s15, $0x6  }
.Ltmp1:
0x59: {  	[tilespmem:s18+$0x30] =	vst v0;
	s17 =	sadd.s32 s5, s17;
	(pc) =	sbr.rel @p0 .LBB2_3-.Ltmp1, $4  }
0x5a: {  	[hbm4b:s17+s11] =	stream.strided.scatter [tilespmem:s13], [sflag:$0x1], $0x3200, s12, s11, $0x38;
	[tilespmem:$0x6400] =	vst v63  }
0x5b: {  	_ =	swait.ge [sflag:s7], $0x3200  }
0x5c: {  	[sflag:s7] =	ssyncset.done $0x0  }
0x5d: {  	[sflag:s7] =	ssyncadd.s32 $0xFFFFCE00  }
0x5e: {  	s14 =	sadd.s32 $0x1, s14  }
0x5f: {  	p0 =	sne.s32 s14, $0x8  }
.Ltmp2:
0x60: {  	_ = 	snop;
	(pc) =	sbr.rel @p0 .LBB2_2-.Ltmp2, $1  }
0x61: {  	_ =	sdelay $0x3  }
0x62: {  	s2 =	sadd.s32 $0x1, s2  }
0x63: {  	p0 =	sne.s32 s2, s10  }
.Ltmp3:
0x64: {  	_ = 	snop;
	(pc) =	sbr.rel @p0 .LBB2_1-.Ltmp3, $1  }
0x65: {  	_ =	sdelay $0x3  }
0x66: {  	_ =	sfence.sel $0x180000  }
0x67: {  	[bflag:$0x0] =	sbarrier.arrive $0xFFFF  }
0x68: {  	p0 =	sne.s32 s1, $0x0;
	_ =	strace $0x90000047  }
0x69: {  	s0 =	sadd.s32 @!p0 $0x100000, s0;
	[bflag:$0x2] =	sbarrier.arrive $0xFFFF  }
0x6a: {  	[sflag:s0] =	ssyncadd.tile.s32 @!p0 $0x1;
	_ =	shalt  }
.Lfunc_end2:
_tile_overlayer_lowered:
.L_overlay_start_2:
0x6b: {  	(tag) =	ssettag $0x2  }
0x6c: {  	s0 =	rddreg [dreg:$0x0];
	s2 =	stileid.u32  }
0x6d: {  	s1 =	rddreg [dreg:$0x1];
	p0 =	sne.s32 s2, $0x0  }
0x6e: {  	s3 =	rddreg [dreg:$0x2];
	[bflag:$0x3] =	sbarrier.arrive $0xFFFF;
	s2 =	simm.s32 @!p0 $0x1C01  }
0x6f: {  	[timem:s3], [sflag:s2] =	dma.local @!p0 [hbm:s0], s1  }
0x70: {  	s0 =	simm.s32 @!p0 $0x1  }
0x71: {  	_ =	swait.ge @!p0 [sflag:s0], s1  }
0x72: {  	s1 =	ssub.s32 @!p0 $0x0, s1;
	[sflag:s0] =	ssyncset.done @!p0 $0x0  }
0x73: {  	[sflag:s0] =	ssyncadd.s32 @!p0 s1  }
0x74: {  	[bflag:$0x3] =	sbarrier.arrive $0xFFFF  }
0x75: {  	_ =	shalt  }

</sc_bundles>
